<compile_context>
chip_gen: v7x
topology: tpu7x:2x2x1
jax: 0.10.2.dev20260603
libtpu: 0.0.44.dev20260713+nightly
codegen_flags: <defaults>
</compile_context>

<pallas_src>
import jax
import jax.numpy as jnp
from jax import lax
from jax.experimental import pallas as pl
from jax.experimental.pallas import tpu as pltpu
from jax.experimental.pallas import tpu_sc as plsc

B = 16
W = 2048
CAT = 3 * W
NCORES = 1
HALF = W // NCORES
L = 16
STEPS = HALF // L


def _body(xe_hbm, xd_hbm, xt_hbm, prev_hbm, lens_hbm,
          ye_hbm, yd_hbm, np_hbm,
          cat_v, xd_v, lens_v, ye_v, yd_v, np_v,
          sem_l, sem_d, sem_e, sem_t, sem_o):
    b = lax.axis_index("s")
    h = lax.axis_index("c")
    col0 = h * HALF

    c_len = pltpu.async_copy(lens_hbm, lens_v, sem_l)
    c_xd = pltpu.async_copy(xd_hbm.at[b, pl.ds(col0, HALF)], xd_v, sem_d)
    c_prev = pltpu.async_copy(prev_hbm.at[b], cat_v.at[pl.ds(0, W)], sem_e)
    c_xe = pltpu.async_copy(xe_hbm.at[b], cat_v.at[pl.ds(W, W)], sem_e)
    c_xt = pltpu.async_copy(xt_hbm.at[b], cat_v.at[pl.ds(2 * W, W)], sem_t)

    c_len.wait()
    bvec = jnp.full((L,), b, dtype=jnp.int32)
    el = plsc.load_gather(lens_v, [bvec])
    dl = plsc.load_gather(lens_v, [bvec + B])
    tl = plsc.load_gather(lens_v, [bvec + 2 * B])
    iota = lax.iota(jnp.int32, L)

    c_xd.wait()

    @plsc.parallel_loop(0, STEPS, 1, unroll=4)
    def _(k):
        o = k * L
        j = col0 + o + iota
        yd_v[pl.ds(o, L)] = jnp.where(j < dl, xd_v[pl.ds(o, L)], 0)

    o_yd = pltpu.async_copy(yd_v, yd_hbm.at[b, pl.ds(col0, HALF)], sem_o)

    c_prev.wait()
    c_xe.wait()

    @plsc.parallel_loop(0, STEPS, 1, unroll=4)
    def _(k):
        o = k * L
        j = col0 + o + iota
        ye_v[pl.ds(o, L)] = plsc.load_gather(cat_v, [el + j])

    o_ye = pltpu.async_copy(ye_v, ye_hbm.at[b, pl.ds(col0, HALF)], sem_o)

    c_xt.wait()

    @plsc.parallel_loop(0, STEPS, 1, unroll=4)
    def _(k):
        o = k * L
        s = tl + col0 + k * L + iota
        idx_np = jnp.where(s < W, el + s, s + W)
        np_v[pl.ds(o, L)] = plsc.load_gather(cat_v, [idx_np])

    o_np = pltpu.async_copy(np_v, np_hbm.at[b, pl.ds(col0, HALF)], sem_o)

    o_yd.wait()
    o_ye.wait()
    o_np.wait()


@jax.jit
def _frames_sc(xe_values, xd_values, xt_values, prev, lens):
    out = jax.ShapeDtypeStruct((B, W), jnp.int32)
    run = pl.kernel(
        _body,
        out_type=(out, out, out),
        mesh=plsc.VectorSubcoreMesh(core_axis_name="c", subcore_axis_name="s",
                                    num_cores=NCORES),
        scratch_types=(
            pltpu.VMEM((CAT,), jnp.int32),
            pltpu.VMEM((HALF,), jnp.int32),
            pltpu.VMEM((3 * B,), jnp.int32),
            pltpu.VMEM((HALF,), jnp.int32),
            pltpu.VMEM((HALF,), jnp.int32),
            pltpu.VMEM((HALF,), jnp.int32),
            pltpu.SemaphoreType.DMA,
            pltpu.SemaphoreType.DMA,
            pltpu.SemaphoreType.DMA,
            pltpu.SemaphoreType.DMA,
            pltpu.SemaphoreType.DMA,
        ),
        compiler_params=pltpu.CompilerParams(needs_layout_passes=False),
    )
    return run(xe_values, xd_values, xt_values, prev, lens)


def kernel(xe_values, xe_lengths, xd_values, xd_lengths, xt_values,
           xt_lengths, prev):
    lens = jnp.concatenate([xe_lengths, xd_lengths, xt_lengths])
    ye, yd, new_prev = _frames_sc(xe_values, xd_values, xt_values, prev, lens)
    return ye, xe_lengths, yd, xd_lengths, new_prev

# --- scband reference (transcript-rebuilt; emitter-appended) ---
"""Pipeline reference for scband-frames-59605556134006 (READ-ONLY COPY).

The authoritative reference and input builder live on the scoring server;
editing this copy changes nothing except your own understanding.
"""

import jax, jax.numpy as jnp
import numpy as np

B = 16
W_ENC = 2048
W_DEC = 2048
MAXLEN = 2048
VOCAB = 32000


def setup_inputs(seed: int = 0) -> dict:
    key = jax.random.key(seed)
    ks = jax.random.split(key, 6)
    xe_values = jax.random.randint(ks[0], (B, MAXLEN), 0, VOCAB, dtype=jnp.int32)
    xe_lengths = jax.random.randint(ks[1], (B,), 0, MAXLEN, dtype=jnp.int32)
    xd_values = jax.random.randint(ks[2], (B, MAXLEN), 0, VOCAB, dtype=jnp.int32)
    xd_lengths = jax.random.randint(ks[3], (B,), 0, W_DEC, dtype=jnp.int32)
    xt_values = jax.random.randint(ks[4], (B, MAXLEN), 0, VOCAB, dtype=jnp.int32)
    xt_lengths = jax.random.randint(ks[5], (B,), 0, MAXLEN, dtype=jnp.int32)
    # non-trainable state buffer 'prev', zeros-initialized per the Keras add_weight
    prev = jnp.zeros((B, W_ENC), dtype=jnp.int32)
    return {
        "xe_values": xe_values, "xe_lengths": xe_lengths,
        "xd_values": xd_values, "xd_lengths": xd_lengths,
        "xt_values": xt_values, "xt_lengths": xt_lengths,
        "prev": prev,
    }


def reference(xe_values, xe_lengths, xd_values, xd_lengths, xt_values, xt_lengths, prev):
    # Ragged row b of xe is xe_values[b, :xe_lengths[b]].
    # ye = concat([prev, xe], axis=1) then gather window [el[b], el[b]+W_ENC) per row.
    # In the dense layout, gathered index p = el[b]+j addresses prev[b, p] when p < W_ENC
    # and xe_values[b, p - W_ENC] otherwise (always within the valid ragged prefix),
    # so a dense take_along_axis on the dense concat is exactly equivalent.
    j = jnp.arange(W_ENC, dtype=jnp.int32)[None, :]
    cat_e = jnp.concatenate([prev, xe_values], axis=1)
    idx_e = xe_lengths[:, None] + j
    ye = jnp.take_along_axis(cat_e, idx_e, axis=1)
    el = xe_lengths.astype(jnp.int32)
    # yd = pad(xd.to_tensor(), to width_dec): dense values masked beyond row length, width W_DEC
    mask_d = jnp.arange(W_DEC, dtype=jnp.int32)[None, :] < xd_lengths[:, None]
    yd = jnp.where(mask_d, xd_values[:, :W_DEC], jnp.int32(0))
    dl = xd_lengths.astype(jnp.int32)
    # p = concat([ye, xt], axis=1) then gather window [tl[b], tl[b]+W_ENC) -> new prev state
    cat_t = jnp.concatenate([ye, xt_values], axis=1)
    idx_t = xt_lengths[:, None] + j
    new_prev = jnp.take_along_axis(cat_t, idx_t, axis=1)
    # original returns [ye, el, yd, dl] and assigns new_prev to the state buffer;
    # we return the updated state explicitly (functional style)
    return ye, el, yd, dl, new_prev

if __name__ == "__main__":
    import jax
    _d = setup_inputs()
    print(jax.jit(kernel)(*tuple(_d.values())))

</pallas_src>

<mosaic_0001>
#map = affine_map<(d0, d1) -> (0, 0)>
#map1 = affine_map<(d0, d1) -> (0)>
module attributes {stable_mosaic.version = 14 : i64} {
  func.func @_body(%arg0: i32, %arg1: i32, %arg2: memref<16x2048xi32, #tpu.memory_space<hbm>>, %arg3: memref<16x2048xi32, #tpu.memory_space<hbm>>, %arg4: memref<16x2048xi32, #tpu.memory_space<hbm>>, %arg5: memref<16x2048xi32, #tpu.memory_space<hbm>>, %arg6: memref<48xi32, #tpu.memory_space<hbm>>, %arg7: memref<16x2048xi32, #tpu.memory_space<hbm>>, %arg8: memref<16x2048xi32, #tpu.memory_space<hbm>>, %arg9: memref<16x2048xi32, #tpu.memory_space<hbm>>, %arg10: memref<6144xi32, #tpu.memory_space<vmem>>, %arg11: memref<2048xi32, #tpu.memory_space<vmem>>, %arg12: memref<48xi32, #tpu.memory_space<vmem>>, %arg13: memref<2048xi32, #tpu.memory_space<vmem>>, %arg14: memref<2048xi32, #tpu.memory_space<vmem>>, %arg15: memref<2048xi32, #tpu.memory_space<vmem>>, %arg16: memref<!tpu.dma_semaphore, #tpu.memory_space<semaphore_mem>>, %arg17: memref<!tpu.dma_semaphore, #tpu.memory_space<semaphore_mem>>, %arg18: memref<!tpu.dma_semaphore, #tpu.memory_space<semaphore_mem>>, %arg19: memref<!tpu.dma_semaphore, #tpu.memory_space<semaphore_mem>>, %arg20: memref<!tpu.dma_semaphore, #tpu.memory_space<semaphore_mem>>) attributes {dimension_semantics = [#tpu.dimension_semantics<core_parallel>, #tpu.dimension_semantics<subcore_parallel>], iteration_bounds = array<i64: 1, 16>, scalar_prefetch = 0 : i64, scratch_operands = 11 : i64, tpu.core_type = #tpu.core_type<sc_vector_subcore>, window_params = [{transform_indices = #map}, {transform_indices = #map}, {transform_indices = #map}, {transform_indices = #map}, {transform_indices = #map1}, {transform_indices = #map}, {transform_indices = #map}, {transform_indices = #map}]} {
    %mul3A = arith.constant 2048 : i32
    %mul3A_0 = arith.muli %arg0, %mul3A : i32
    tpu.enqueue_dma source(%arg6 : memref<48xi32, #tpu.memory_space<hbm>>) target(%arg12 : memref<48xi32, #tpu.memory_space<vmem>>) target_semaphore(%arg16 : memref<!tpu.dma_semaphore, #tpu.memory_space<semaphore_mem>>)
    %dma_start3A = tpu.memref_slice %arg3[%arg1, %mul3A_0] : memref<16x2048xi32, #tpu.memory_space<hbm>> -> memref<1x2048xi32, #tpu.memory_space<hbm>>
    %dma_start3A_1 = tpu.memref_squeeze %dma_start3A : memref<1x2048xi32, #tpu.memory_space<hbm>> -> memref<2048xi32, #tpu.memory_space<hbm>>
    %dma_start3A_2 = tpu.memref_slice %arg3[%arg1, %mul3A_0] : memref<16x2048xi32, #tpu.memory_space<hbm>> -> memref<1x2048xi32, #tpu.memory_space<hbm>>
    %dma_start3A_3 = tpu.memref_squeeze %dma_start3A_2 : memref<1x2048xi32, #tpu.memory_space<hbm>> -> memref<2048xi32, #tpu.memory_space<hbm>>
    tpu.enqueue_dma source(%dma_start3A_3 : memref<2048xi32, #tpu.memory_space<hbm>>) target(%arg11 : memref<2048xi32, #tpu.memory_space<vmem>>) target_semaphore(%arg17 : memref<!tpu.dma_semaphore, #tpu.memory_space<semaphore_mem>>)
    %dma_start3A_4 = arith.constant 0 : i32
    %dma_start3A_5 = tpu.memref_slice %arg10[%dma_start3A_4] : memref<6144xi32, #tpu.memory_space<vmem>> -> memref<2048xi32, #tpu.memory_space<vmem>>
    %dma_start3A_6 = arith.constant 0 : i32
    %dma_start3A_7 = tpu.memref_slice %arg5[%arg1, %dma_start3A_6] : memref<16x2048xi32, #tpu.memory_space<hbm>> -> memref<1x2048xi32, #tpu.memory_space<hbm>>
    %dma_start3A_8 = tpu.memref_squeeze %dma_start3A_7 : memref<1x2048xi32, #tpu.memory_space<hbm>> -> memref<2048xi32, #tpu.memory_space<hbm>>
    %dma_start3A_9 = arith.constant 0 : i32
    %dma_start3A_10 = tpu.memref_slice %arg10[%dma_start3A_9] : memref<6144xi32, #tpu.memory_space<vmem>> -> memref<2048xi32, #tpu.memory_space<vmem>>
    %dma_start3A_11 = arith.constant 0 : i32
    %dma_start3A_12 = tpu.memref_slice %arg5[%arg1, %dma_start3A_11] : memref<16x2048xi32, #tpu.memory_space<hbm>> -> memref<1x2048xi32, #tpu.memory_space<hbm>>
    %dma_start3A_13 = tpu.memref_squeeze %dma_start3A_12 : memref<1x2048xi32, #tpu.memory_space<hbm>> -> memref<2048xi32, #tpu.memory_space<hbm>>
    tpu.enqueue_dma source(%dma_start3A_13 : memref<2048xi32, #tpu.memory_space<hbm>>) target(%dma_start3A_10 : memref<2048xi32, #tpu.memory_space<vmem>>) target_semaphore(%arg18 : memref<!tpu.dma_semaphore, #tpu.memory_space<semaphore_mem>>)
    %dma_start3A_14 = arith.constant 2048 : i32
    %dma_start3A_15 = tpu.memref_slice %arg10[%dma_start3A_14] : memref<6144xi32, #tpu.memory_space<vmem>> -> memref<2048xi32, #tpu.memory_space<vmem>>
    %dma_start3A_16 = arith.constant 0 : i32
    %dma_start3A_17 = tpu.memref_slice %arg2[%arg1, %dma_start3A_16] : memref<16x2048xi32, #tpu.memory_space<hbm>> -> memref<1x2048xi32, #tpu.memory_space<hbm>>
    %dma_start3A_18 = tpu.memref_squeeze %dma_start3A_17 : memref<1x2048xi32, #tpu.memory_space<hbm>> -> memref<2048xi32, #tpu.memory_space<hbm>>
    %dma_start3A_19 = arith.constant 2048 : i32
    %dma_start3A_20 = tpu.memref_slice %arg10[%dma_start3A_19] : memref<6144xi32, #tpu.memory_space<vmem>> -> memref<2048xi32, #tpu.memory_space<vmem>>
    %dma_start3A_21 = arith.constant 0 : i32
    %dma_start3A_22 = tpu.memref_slice %arg2[%arg1, %dma_start3A_21] : memref<16x2048xi32, #tpu.memory_space<hbm>> -> memref<1x2048xi32, #tpu.memory_space<hbm>>
    %dma_start3A_23 = tpu.memref_squeeze %dma_start3A_22 : memref<1x2048xi32, #tpu.memory_space<hbm>> -> memref<2048xi32, #tpu.memory_space<hbm>>
    tpu.enqueue_dma source(%dma_start3A_23 : memref<2048xi32, #tpu.memory_space<hbm>>) target(%dma_start3A_20 : memref<2048xi32, #tpu.memory_space<vmem>>) target_semaphore(%arg18 : memref<!tpu.dma_semaphore, #tpu.memory_space<semaphore_mem>>)
    %dma_start3A_24 = arith.constant 4096 : i32
    %dma_start3A_25 = tpu.memref_slice %arg10[%dma_start3A_24] : memref<6144xi32, #tpu.memory_space<vmem>> -> memref<2048xi32, #tpu.memory_space<vmem>>
    %dma_start3A_26 = arith.constant 0 : i32
    %dma_start3A_27 = tpu.memref_slice %arg4[%arg1, %dma_start3A_26] : memref<16x2048xi32, #tpu.memory_space<hbm>> -> memref<1x2048xi32, #tpu.memory_space<hbm>>
    %dma_start3A_28 = tpu.memref_squeeze %dma_start3A_27 : memref<1x2048xi32, #tpu.memory_space<hbm>> -> memref<2048xi32, #tpu.memory_space<hbm>>
    %dma_start3A_29 = arith.constant 4096 : i32
    %dma_start3A_30 = tpu.memref_slice %arg10[%dma_start3A_29] : memref<6144xi32, #tpu.memory_space<vmem>> -> memref<2048xi32, #tpu.memory_space<vmem>>
    %dma_start3A_31 = arith.constant 0 : i32
    %dma_start3A_32 = tpu.memref_slice %arg4[%arg1, %dma_start3A_31] : memref<16x2048xi32, #tpu.memory_space<hbm>> -> memref<1x2048xi32, #tpu.memory_space<hbm>>
    %dma_start3A_33 = tpu.memref_squeeze %dma_start3A_32 : memref<1x2048xi32, #tpu.memory_space<hbm>> -> memref<2048xi32, #tpu.memory_space<hbm>>
    tpu.enqueue_dma source(%dma_start3A_33 : memref<2048xi32, #tpu.memory_space<hbm>>) target(%dma_start3A_30 : memref<2048xi32, #tpu.memory_space<vmem>>) target_semaphore(%arg19 : memref<!tpu.dma_semaphore, #tpu.memory_space<semaphore_mem>>)
    tpu.wait_dma2 semaphore(%arg16 : memref<!tpu.dma_semaphore, #tpu.memory_space<semaphore_mem>>) src(%arg6 : memref<48xi32, #tpu.memory_space<hbm>>) dst(%arg12 : memref<48xi32, #tpu.memory_space<vmem>>)
    %broadcast_in_dim3A = vector.broadcast %arg1 : i32 to vector<16xi32>
    %gather3A = tpu.vector_load_idx %arg12[%broadcast_in_dim3A] : memref<48xi32, #tpu.memory_space<vmem>>[vector<16xi32>], vector<16xi32>,
    %add3A = arith.constant 16 : i32
    %add3A_34 = vector.broadcast %add3A : i32 to vector<16xi32>
    %add3A_35 = arith.addi %broadcast_in_dim3A, %add3A_34 : vector<16xi32>
    %gather3A_36 = tpu.vector_load_idx %arg12[%add3A_35] : memref<48xi32, #tpu.memory_space<vmem>>[vector<16xi32>], vector<16xi32>,
    %add3A_37 = arith.constant 32 : i32
    %add3A_38 = vector.broadcast %add3A_37 : i32 to vector<16xi32>
    %add3A_39 = arith.addi %broadcast_in_dim3A, %add3A_38 : vector<16xi32>
    %gather3A_40 = tpu.vector_load_idx %arg12[%add3A_39] : memref<48xi32, #tpu.memory_space<vmem>>[vector<16xi32>], vector<16xi32>,
    %iota3A = tpu.iota {dimensions = array<i32: 0>} : vector<16xi32>
    %dma_wait3A = tpu.memref_slice %arg3[%arg1, %mul3A_0] : memref<16x2048xi32, #tpu.memory_space<hbm>> -> memref<1x2048xi32, #tpu.memory_space<hbm>>
    %dma_wait3A_41 = tpu.memref_squeeze %dma_wait3A : memref<1x2048xi32, #tpu.memory_space<hbm>> -> memref<2048xi32, #tpu.memory_space<hbm>>
    %dma_wait3A_42 = tpu.memref_slice %arg3[%arg1, %mul3A_0] : memref<16x2048xi32, #tpu.memory_space<hbm>> -> memref<1x2048xi32, #tpu.memory_space<hbm>>
    %dma_wait3A_43 = tpu.memref_squeeze %dma_wait3A_42 : memref<1x2048xi32, #tpu.memory_space<hbm>> -> memref<2048xi32, #tpu.memory_space<hbm>>
    tpu.wait_dma2 semaphore(%arg17 : memref<!tpu.dma_semaphore, #tpu.memory_space<semaphore_mem>>) src(%dma_wait3A_43 : memref<2048xi32, #tpu.memory_space<hbm>>) dst(%arg11 : memref<2048xi32, #tpu.memory_space<vmem>>)
    %parallel_loop3A = arith.constant 0 : i32
    %parallel_loop3A_44 = arith.constant 128 : i32
    %parallel_loop3A_45 = arith.constant 1 : i32
    scf.for %parallel_loop3A_106 = %parallel_loop3A to %parallel_loop3A_44 step %parallel_loop3A_45  : i32 {
      %parallel_loop3A_107 = arith.constant 16 : i32
      %parallel_loop3A_108 = arith.muli %parallel_loop3A_106, %parallel_loop3A_107 : i32
      %parallel_loop3A_109 = arith.addi %mul3A_0, %parallel_loop3A_108 : i32
      %parallel_loop3A_110 = vector.broadcast %parallel_loop3A_109 : i32 to vector<16xi32>
      %parallel_loop3A_111 = arith.addi %parallel_loop3A_110, %iota3A : vector<16xi32>
      %parallel_loop3A_112 = arith.cmpi slt, %parallel_loop3A_111, %gather3A_36 : vector<16xi32>
      %parallel_loop3A_113 = arith.index_cast %parallel_loop3A_108 : i32 to index
      %parallel_loop3A_114 = tpu.vector_load %arg11[%parallel_loop3A_113] {strides = array<i32>} : memref<2048xi32, #tpu.memory_space<vmem>>, vector<16xi32>,
      %parallel_loop3A_115 = arith.constant 0 : i32
      %parallel_loop3A_116 = vector.broadcast %parallel_loop3A_115 : i32 to vector<16xi32>
      %parallel_loop3A_117 = arith.select %parallel_loop3A_112, %parallel_loop3A_114, %parallel_loop3A_116 : vector<16xi1>, vector<16xi32>
      %parallel_loop3A_118 = arith.index_cast %parallel_loop3A_108 : i32 to index
      %parallel_loop3A_119 = tpu.vector_load %arg14[%parallel_loop3A_118] {strides = array<i32>} : memref<2048xi32, #tpu.memory_space<vmem>>, vector<16xi32>,
      tpu.vector_store %arg14[%parallel_loop3A_118], %parallel_loop3A_117 {strides = array<i32>} : memref<2048xi32, #tpu.memory_space<vmem>>, vector<16xi32>,
    } {sc.loop_unroll_factor = 4 : i64, sc.parallel_access}
    %dma_start3A_46 = tpu.memref_slice %arg8[%arg1, %mul3A_0] : memref<16x2048xi32, #tpu.memory_space<hbm>> -> memref<1x2048xi32, #tpu.memory_space<hbm>>
    %dma_start3A_47 = tpu.memref_squeeze %dma_start3A_46 : memref<1x2048xi32, #tpu.memory_space<hbm>> -> memref<2048xi32, #tpu.memory_space<hbm>>
    %dma_start3A_48 = tpu.memref_slice %arg8[%arg1, %mul3A_0] : memref<16x2048xi32, #tpu.memory_space<hbm>> -> memref<1x2048xi32, #tpu.memory_space<hbm>>
    %dma_start3A_49 = tpu.memref_squeeze %dma_start3A_48 : memref<1x2048xi32, #tpu.memory_space<hbm>> -> memref<2048xi32, #tpu.memory_space<hbm>>
    tpu.enqueue_dma source(%arg14 : memref<2048xi32, #tpu.memory_space<vmem>>) target(%dma_start3A_49 : memref<2048xi32, #tpu.memory_space<hbm>>) target_semaphore(%arg20 : memref<!tpu.dma_semaphore, #tpu.memory_space<semaphore_mem>>)
    %dma_wait3A_50 = arith.constant 0 : i32
    %dma_wait3A_51 = tpu.memref_slice %arg10[%dma_wait3A_50] : memref<6144xi32, #tpu.memory_space<vmem>> -> memref<2048xi32, #tpu.memory_space<vmem>>
    %dma_wait3A_52 = arith.constant 0 : i32
    %dma_wait3A_53 = tpu.memref_slice %arg5[%arg1, %dma_wait3A_52] : memref<16x2048xi32, #tpu.memory_space<hbm>> -> memref<1x2048xi32, #tpu.memory_space<hbm>>
    %dma_wait3A_54 = tpu.memref_squeeze %dma_wait3A_53 : memref<1x2048xi32, #tpu.memory_space<hbm>> -> memref<2048xi32, #tpu.memory_space<hbm>>
    %dma_wait3A_55 = arith.constant 0 : i32
    %dma_wait3A_56 = tpu.memref_slice %arg10[%dma_wait3A_55] : memref<6144xi32, #tpu.memory_space<vmem>> -> memref<2048xi32, #tpu.memory_space<vmem>>
    %dma_wait3A_57 = arith.constant 0 : i32
    %dma_wait3A_58 = tpu.memref_slice %arg5[%arg1, %dma_wait3A_57] : memref<16x2048xi32, #tpu.memory_space<hbm>> -> memref<1x2048xi32, #tpu.memory_space<hbm>>
    %dma_wait3A_59 = tpu.memref_squeeze %dma_wait3A_58 : memref<1x2048xi32, #tpu.memory_space<hbm>> -> memref<2048xi32, #tpu.memory_space<hbm>>
    tpu.wait_dma2 semaphore(%arg18 : memref<!tpu.dma_semaphore, #tpu.memory_space<semaphore_mem>>) src(%dma_wait3A_59 : memref<2048xi32, #tpu.memory_space<hbm>>) dst(%dma_wait3A_56 : memref<2048xi32, #tpu.memory_space<vmem>>)
    %dma_wait3A_60 = arith.constant 2048 : i32
    %dma_wait3A_61 = tpu.memref_slice %arg10[%dma_wait3A_60] : memref<6144xi32, #tpu.memory_space<vmem>> -> memref<2048xi32, #tpu.memory_space<vmem>>
    %dma_wait3A_62 = arith.constant 0 : i32
    %dma_wait3A_63 = tpu.memref_slice %arg2[%arg1, %dma_wait3A_62] : memref<16x2048xi32, #tpu.memory_space<hbm>> -> memref<1x2048xi32, #tpu.memory_space<hbm>>
    %dma_wait3A_64 = tpu.memref_squeeze %dma_wait3A_63 : memref<1x2048xi32, #tpu.memory_space<hbm>> -> memref<2048xi32, #tpu.memory_space<hbm>>
    %dma_wait3A_65 = arith.constant 2048 : i32
    %dma_wait3A_66 = tpu.memref_slice %arg10[%dma_wait3A_65] : memref<6144xi32, #tpu.memory_space<vmem>> -> memref<2048xi32, #tpu.memory_space<vmem>>
    %dma_wait3A_67 = arith.constant 0 : i32
    %dma_wait3A_68 = tpu.memref_slice %arg2[%arg1, %dma_wait3A_67] : memref<16x2048xi32, #tpu.memory_space<hbm>> -> memref<1x2048xi32, #tpu.memory_space<hbm>>
    %dma_wait3A_69 = tpu.memref_squeeze %dma_wait3A_68 : memref<1x2048xi32, #tpu.memory_space<hbm>> -> memref<2048xi32, #tpu.memory_space<hbm>>
    tpu.wait_dma2 semaphore(%arg18 : memref<!tpu.dma_semaphore, #tpu.memory_space<semaphore_mem>>) src(%dma_wait3A_69 : memref<2048xi32, #tpu.memory_space<hbm>>) dst(%dma_wait3A_66 : memref<2048xi32, #tpu.memory_space<vmem>>)
    %parallel_loop3A_70 = arith.constant 0 : i32
    %parallel_loop3A_71 = arith.constant 128 : i32
    %parallel_loop3A_72 = arith.constant 1 : i32
    scf.for %parallel_loop3A_106 = %parallel_loop3A_70 to %parallel_loop3A_71 step %parallel_loop3A_72  : i32 {
      %parallel_loop3A_107 = arith.constant 16 : i32
      %parallel_loop3A_108 = arith.muli %parallel_loop3A_106, %parallel_loop3A_107 : i32
      %parallel_loop3A_109 = arith.addi %mul3A_0, %parallel_loop3A_108 : i32
      %parallel_loop3A_110 = vector.broadcast %parallel_loop3A_109 : i32 to vector<16xi32>
      %parallel_loop3A_111 = arith.addi %parallel_loop3A_110, %iota3A : vector<16xi32>
      %parallel_loop3A_112 = arith.addi %gather3A, %parallel_loop3A_111 : vector<16xi32>
      %parallel_loop3A_113 = tpu.vector_load_idx %arg10[%parallel_loop3A_112] : memref<6144xi32, #tpu.memory_space<vmem>>[vector<16xi32>], vector<16xi32>,
      %parallel_loop3A_114 = arith.index_cast %parallel_loop3A_108 : i32 to index
      %parallel_loop3A_115 = tpu.vector_load %arg13[%parallel_loop3A_114] {strides = array<i32>} : memref<2048xi32, #tpu.memory_space<vmem>>, vector<16xi32>,
      tpu.vector_store %arg13[%parallel_loop3A_114], %parallel_loop3A_113 {strides = array<i32>} : memref<2048xi32, #tpu.memory_space<vmem>>, vector<16xi32>,
    } {sc.loop_unroll_factor = 4 : i64, sc.parallel_access}
    %dma_start3A_73 = tpu.memref_slice %arg7[%arg1, %mul3A_0] : memref<16x2048xi32, #tpu.memory_space<hbm>> -> memref<1x2048xi32, #tpu.memory_space<hbm>>
    %dma_start3A_74 = tpu.memref_squeeze %dma_start3A_73 : memref<1x2048xi32, #tpu.memory_space<hbm>> -> memref<2048xi32, #tpu.memory_space<hbm>>
    %dma_start3A_75 = tpu.memref_slice %arg7[%arg1, %mul3A_0] : memref<16x2048xi32, #tpu.memory_space<hbm>> -> memref<1x2048xi32, #tpu.memory_space<hbm>>
    %dma_start3A_76 = tpu.memref_squeeze %dma_start3A_75 : memref<1x2048xi32, #tpu.memory_space<hbm>> -> memref<2048xi32, #tpu.memory_space<hbm>>
    tpu.enqueue_dma source(%arg13 : memref<2048xi32, #tpu.memory_space<vmem>>) target(%dma_start3A_76 : memref<2048xi32, #tpu.memory_space<hbm>>) target_semaphore(%arg20 : memref<!tpu.dma_semaphore, #tpu.memory_space<semaphore_mem>>)
    %dma_wait3A_77 = arith.constant 4096 : i32
    %dma_wait3A_78 = tpu.memref_slice %arg10[%dma_wait3A_77] : memref<6144xi32, #tpu.memory_space<vmem>> -> memref<2048xi32, #tpu.memory_space<vmem>>
    %dma_wait3A_79 = arith.constant 0 : i32
    %dma_wait3A_80 = tpu.memref_slice %arg4[%arg1, %dma_wait3A_79] : memref<16x2048xi32, #tpu.memory_space<hbm>> -> memref<1x2048xi32, #tpu.memory_space<hbm>>
    %dma_wait3A_81 = tpu.memref_squeeze %dma_wait3A_80 : memref<1x2048xi32, #tpu.memory_space<hbm>> -> memref<2048xi32, #tpu.memory_space<hbm>>
    %dma_wait3A_82 = arith.constant 4096 : i32
    %dma_wait3A_83 = tpu.memref_slice %arg10[%dma_wait3A_82] : memref<6144xi32, #tpu.memory_space<vmem>> -> memref<2048xi32, #tpu.memory_space<vmem>>
    %dma_wait3A_84 = arith.constant 0 : i32
    %dma_wait3A_85 = tpu.memref_slice %arg4[%arg1, %dma_wait3A_84] : memref<16x2048xi32, #tpu.memory_space<hbm>> -> memref<1x2048xi32, #tpu.memory_space<hbm>>
    %dma_wait3A_86 = tpu.memref_squeeze %dma_wait3A_85 : memref<1x2048xi32, #tpu.memory_space<hbm>> -> memref<2048xi32, #tpu.memory_space<hbm>>
    tpu.wait_dma2 semaphore(%arg19 : memref<!tpu.dma_semaphore, #tpu.memory_space<semaphore_mem>>) src(%dma_wait3A_86 : memref<2048xi32, #tpu.memory_space<hbm>>) dst(%dma_wait3A_83 : memref<2048xi32, #tpu.memory_space<vmem>>)
    %parallel_loop3A_87 = arith.constant 0 : i32
    %parallel_loop3A_88 = arith.constant 128 : i32
    %parallel_loop3A_89 = arith.constant 1 : i32
    scf.for %parallel_loop3A_106 = %parallel_loop3A_87 to %parallel_loop3A_88 step %parallel_loop3A_89  : i32 {
      %parallel_loop3A_107 = arith.constant 16 : i32
      %parallel_loop3A_108 = arith.muli %parallel_loop3A_106, %parallel_loop3A_107 : i32
      %parallel_loop3A_109 = vector.broadcast %mul3A_0 : i32 to vector<16xi32>
      %parallel_loop3A_110 = arith.addi %gather3A_40, %parallel_loop3A_109 : vector<16xi32>
      %parallel_loop3A_111 = arith.constant 16 : i32
      %parallel_loop3A_112 = arith.muli %parallel_loop3A_106, %parallel_loop3A_111 : i32
      %parallel_loop3A_113 = vector.broadcast %parallel_loop3A_112 : i32 to vector<16xi32>
      %parallel_loop3A_114 = arith.addi %parallel_loop3A_110, %parallel_loop3A_113 : vector<16xi32>
      %parallel_loop3A_115 = arith.addi %parallel_loop3A_114, %iota3A : vector<16xi32>
      %parallel_loop3A_116 = arith.constant 2048 : i32
      %parallel_loop3A_117 = vector.broadcast %parallel_loop3A_116 : i32 to vector<16xi32>
      %parallel_loop3A_118 = arith.cmpi slt, %parallel_loop3A_115, %parallel_loop3A_117 : vector<16xi32>
      %parallel_loop3A_119 = arith.addi %gather3A, %parallel_loop3A_115 : vector<16xi32>
      %parallel_loop3A_120 = arith.constant 2048 : i32
      %parallel_loop3A_121 = vector.broadcast %parallel_loop3A_120 : i32 to vector<16xi32>
      %parallel_loop3A_122 = arith.addi %parallel_loop3A_115, %parallel_loop3A_121 : vector<16xi32>
      %parallel_loop3A_123 = arith.select %parallel_loop3A_118, %parallel_loop3A_119, %parallel_loop3A_122 : vector<16xi1>, vector<16xi32>
      %parallel_loop3A_124 = tpu.vector_load_idx %arg10[%parallel_loop3A_123] : memref<6144xi32, #tpu.memory_space<vmem>>[vector<16xi32>], vector<16xi32>,
      %parallel_loop3A_125 = arith.index_cast %parallel_loop3A_108 : i32 to index
      %parallel_loop3A_126 = tpu.vector_load %arg15[%parallel_loop3A_125] {strides = array<i32>} : memref<2048xi32, #tpu.memory_space<vmem>>, vector<16xi32>,
      tpu.vector_store %arg15[%parallel_loop3A_125], %parallel_loop3A_124 {strides = array<i32>} : memref<2048xi32, #tpu.memory_space<vmem>>, vector<16xi32>,
    } {sc.loop_unroll_factor = 4 : i64, sc.parallel_access}
    %dma_start3A_90 = tpu.memref_slice %arg9[%arg1, %mul3A_0] : memref<16x2048xi32, #tpu.memory_space<hbm>> -> memref<1x2048xi32, #tpu.memory_space<hbm>>
    %dma_start3A_91 = tpu.memref_squeeze %dma_start3A_90 : memref<1x2048xi32, #tpu.memory_space<hbm>> -> memref<2048xi32, #tpu.memory_space<hbm>>
    %dma_start3A_92 = tpu.memref_slice %arg9[%arg1, %mul3A_0] : memref<16x2048xi32, #tpu.memory_space<hbm>> -> memref<1x2048xi32, #tpu.memory_space<hbm>>
    %dma_start3A_93 = tpu.memref_squeeze %dma_start3A_92 : memref<1x2048xi32, #tpu.memory_space<hbm>> -> memref<2048xi32, #tpu.memory_space<hbm>>
    tpu.enqueue_dma source(%arg15 : memref<2048xi32, #tpu.memory_space<vmem>>) target(%dma_start3A_93 : memref<2048xi32, #tpu.memory_space<hbm>>) target_semaphore(%arg20 : memref<!tpu.dma_semaphore, #tpu.memory_space<semaphore_mem>>)
    %dma_wait3A_94 = tpu.memref_slice %arg8[%arg1, %mul3A_0] : memref<16x2048xi32, #tpu.memory_space<hbm>> -> memref<1x2048xi32, #tpu.memory_space<hbm>>
    %dma_wait3A_95 = tpu.memref_squeeze %dma_wait3A_94 : memref<1x2048xi32, #tpu.memory_space<hbm>> -> memref<2048xi32, #tpu.memory_space<hbm>>
    %dma_wait3A_96 = tpu.memref_slice %arg8[%arg1, %mul3A_0] : memref<16x2048xi32, #tpu.memory_space<hbm>> -> memref<1x2048xi32, #tpu.memory_space<hbm>>
    %dma_wait3A_97 = tpu.memref_squeeze %dma_wait3A_96 : memref<1x2048xi32, #tpu.memory_space<hbm>> -> memref<2048xi32, #tpu.memory_space<hbm>>
    tpu.wait_dma2 semaphore(%arg20 : memref<!tpu.dma_semaphore, #tpu.memory_space<semaphore_mem>>) src(%arg14 : memref<2048xi32, #tpu.memory_space<vmem>>) dst(%dma_wait3A_97 : memref<2048xi32, #tpu.memory_space<hbm>>)
    %dma_wait3A_98 = tpu.memref_slice %arg7[%arg1, %mul3A_0] : memref<16x2048xi32, #tpu.memory_space<hbm>> -> memref<1x2048xi32, #tpu.memory_space<hbm>>
    %dma_wait3A_99 = tpu.memref_squeeze %dma_wait3A_98 : memref<1x2048xi32, #tpu.memory_space<hbm>> -> memref<2048xi32, #tpu.memory_space<hbm>>
    %dma_wait3A_100 = tpu.memref_slice %arg7[%arg1, %mul3A_0] : memref<16x2048xi32, #tpu.memory_space<hbm>> -> memref<1x2048xi32, #tpu.memory_space<hbm>>
    %dma_wait3A_101 = tpu.memref_squeeze %dma_wait3A_100 : memref<1x2048xi32, #tpu.memory_space<hbm>> -> memref<2048xi32, #tpu.memory_space<hbm>>
    tpu.wait_dma2 semaphore(%arg20 : memref<!tpu.dma_semaphore, #tpu.memory_space<semaphore_mem>>) src(%arg13 : memref<2048xi32, #tpu.memory_space<vmem>>) dst(%dma_wait3A_101 : memref<2048xi32, #tpu.memory_space<hbm>>)
    %dma_wait3A_102 = tpu.memref_slice %arg9[%arg1, %mul3A_0] : memref<16x2048xi32, #tpu.memory_space<hbm>> -> memref<1x2048xi32, #tpu.memory_space<hbm>>
    %dma_wait3A_103 = tpu.memref_squeeze %dma_wait3A_102 : memref<1x2048xi32, #tpu.memory_space<hbm>> -> memref<2048xi32, #tpu.memory_space<hbm>>
    %dma_wait3A_104 = tpu.memref_slice %arg9[%arg1, %mul3A_0] : memref<16x2048xi32, #tpu.memory_space<hbm>> -> memref<1x2048xi32, #tpu.memory_space<hbm>>
    %dma_wait3A_105 = tpu.memref_squeeze %dma_wait3A_104 : memref<1x2048xi32, #tpu.memory_space<hbm>> -> memref<2048xi32, #tpu.memory_space<hbm>>
    tpu.wait_dma2 semaphore(%arg20 : memref<!tpu.dma_semaphore, #tpu.memory_space<semaphore_mem>>) src(%arg15 : memref<2048xi32, #tpu.memory_space<vmem>>) dst(%dma_wait3A_105 : memref<2048xi32, #tpu.memory_space<hbm>>)
    return
  }
}

</mosaic_0001>

<sc_bundles>
// kernel: _frames_sc.3.cloned.1.call-start
scs
__scs_entry_jumppad:
0x0: {  	(pc) =	sbr.rel $0x88, $3  }
0x1: {  	(tag) =	ssettag $0x0;
	lr =	simm.s32 $0x1  }
0x2: {  	[smem:$0x3F9C] =	sst lr;
	_ =	strace $0xD0000000  }
0x3: {  	_ = 	snop  }
0x4: {  	_ = 	snop  }
0x5: {  	_ = 	snop  }
0x6: {  	_ = 	snop  }
0x7: {  	_ = 	snop  }
__scs_overlays_trampoline_lowered:
0x8: {  	[smem:$0x3FAB] =	sst s0  }
0x9: {  	[smem:$0x3FAC] =	sst s1  }
0xa: {  	[smem:$0x3FAD] =	sst s2  }
0xb: {  	[smem:$0x3FAE] =	sst s3  }
0xc: {  	[smem:$0x3FAF] =	sst s4  }
0xd: {  	[smem:$0x3FB0] =	sst s5  }
0xe: {  	[smem:$0x3FB1] =	sst s6  }
0xf: {  	[smem:$0x3FB2] =	sst s7  }
0x10: {  	[smem:$0x3FB3] =	sst s8  }
0x11: {  	[smem:$0x3FB4] =	sst s9;
	s0 =	simm.s32 @!p0 $0x0  }
0x12: {  	s1 =	sld [smem:$0x3F9A];
	s0 =	simm.s32 @p0 $0x1  }
0x13: {  	[smem:$0x3FB5] =	sst s0;
	s0 =	simm.s32 @!p1 $0x0  }
0x14: {  	s2 =	sld [smem:$0x3F99];
	s0 =	simm.s32 @p1 $0x1  }
0x15: {  	[smem:$0x3FB6] =	sst s0;
	s0 =	simm.s32 @!p2 $0x0  }
0x16: {  	s3 =	sld [smem:$0x3FDB];
	s0 =	simm.s32 @p2 $0x1  }
0x17: {  	s4 =	simm.s32 $0x1BF5;
	[smem:$0x3FB8] =	sst s0  }
0x18: {  	s0 =	sld [smem:$0x3F9B];
	_ =	swait.ge [sflag:s4], $0x0  }
0x19: {  	s7 =	sld [smem:$0x3F9C]  }
0x1a: {  	s8 =	sadd.s32 $0xFFFFE003, lr  }
0x1b: {  	s9 =	sadd.s32 $0xFFFFFEF7, lr;
	s5 =	simm.s32 $0xFFFFFFFF;
	p2 =	slt.u32 s8, $0xFFFFF086  }
0x1c: {  	p1 =	slt.u32 s9, $0xF7A;
	s5 =	simm.s32 @!p2 $0x0  }
0x1d: {  	s5 =	simm.s32 @p1 $0x1;
	p0 =	seq.s32 s7, s2  }
0x1e: {  	s7 =	smul.u32 @!p0 $0xF7A, s2;
	p2 =	seq.s32 @!p0 s5, $0x0  }
0x1f: {  	s9 =	smul.u32 $0xF7A, s1;
	s8 =	simm.s32 @!p0 $0x1BF5;
	p2 =	por !p2, p0  }
0x20: {  	[sflag:s8] =	ssyncset.s32 @!p0 $0xFFFFF086;
	s6 =	sadd.s32 @!p0 s3, s7;
	s7 =	simm.s32 @!p0 $0x108  }
0x21: {  	s3 =	sadd.s32 s3, s9;
	s6 =	sadd.s32 @!p0 $0x88, s6;
	s7 =	simm.s32 @p2 $0x1082  }
0x22: {  	[simem:s7], [sflag:s8] =	dma.local @!p0 [hbm:s6], $0xF7A  }
0x23: {  	s9 =	sor.u32 $0xD0000000, s2;
	s6 =	simm.s32 $0x108;
	_ =	swait.ge @!p0 [sflag:s8], $0x0  }
0x24: {  	s3 =	sadd.s32 $0x88, s3;
	s6 =	simm.s32 @!p1 $0x1082;
	[sflag:s4] =	ssyncset.s32 $0xFFFFF086  }
0x25: {  	[simem:s6], [sflag:s4] =	dma.local [hbm:s3], $0xF7A  }
0x26: {  	[smem:$0x3F9C] =	sst s1;
	(tag) =	ssettag s2;
	_ =	strace s9  }
0x27: {  	s1 =	sld [smem:$0x3FAC]  }
0x28: {  	s2 =	sld [smem:$0x3FAD]  }
0x29: {  	s4 =	sld [smem:$0x3FAF]  }
0x2a: {  	p0 =	seq.s32 s5, $0x0;
	s5 =	sld [smem:$0x3FB0]  }
0x2b: {  	s6 =	sld [smem:$0x3FB1]  }
0x2c: {  	s7 =	sld [smem:$0x3FB2]  }
0x2d: {  	s3 =	simm.s32 $0x108;
	s8 =	sld [smem:$0x3FB3]  }
0x2e: {  	s3 =	simm.s32 @!p0 $0x1082;
	s9 =	sld [smem:$0x3FB4]  }
0x2f: {  	lr =	sadd.s32 s0, s3;
	s0 =	sld [smem:$0x3FAB]  }
0x30: {  	s3 =	sld [smem:$0x3FAE]  }
0x31: {  	[smem:$0x3FB7] =	sst s10  }
0x32: {  	s10 =	sld [smem:$0x3FB5];
	_ =	sdelay $0x3  }
0x33: {  	p0 =	seq.s32 s10, $0x1;
	s10 =	sld [smem:$0x3FB7];
	_ =	sdelay $0x3  }
0x34: {  	[smem:$0x3FB7] =	sst s10  }
0x35: {  	s10 =	sld [smem:$0x3FB6];
	_ =	sdelay $0x3  }
0x36: {  	p1 =	seq.s32 s10, $0x1;
	s10 =	sld [smem:$0x3FB7];
	_ =	sdelay $0x3  }
0x37: {  	[smem:$0x3FB7] =	sst s10  }
0x38: {  	s10 =	sld [smem:$0x3FB8]  }
0x39: {  	_ = 	snop;
	(pc) =	sbr.ind lr, $3  }
0x3a: {  	_ = 	snop  }
0x3b: {  	_ = 	snop  }
0x3c: {  	p2 =	seq.s32 s10, $0x1;
	s10 =	sld [smem:$0x3FB7]  }
0x3d: {  	_ =	shalt  }
0x3e: {  	_ =	shalt  }
0x3f: {  	_ =	shalt  }
0x40: {  	_ =	shalt  }
0x41: {  	_ =	shalt  }
0x42: {  	_ =	shalt  }
0x43: {  	_ =	shalt  }
0x44: {  	_ =	shalt  }
0x45: {  	_ =	shalt  }
0x46: {  	_ =	shalt  }
0x47: {  	_ =	shalt  }
0x48: {  	_ =	shalt  }
0x49: {  	_ =	shalt  }
0x4a: {  	_ =	shalt  }
0x4b: {  	_ =	shalt  }
0x4c: {  	_ =	shalt  }
0x4d: {  	_ =	shalt  }
0x4e: {  	_ =	shalt  }
0x4f: {  	_ =	shalt  }
0x50: {  	_ =	shalt  }
0x51: {  	_ =	shalt  }
0x52: {  	_ =	shalt  }
0x53: {  	_ =	shalt  }
0x54: {  	_ =	shalt  }
0x55: {  	_ =	shalt  }
0x56: {  	_ =	shalt  }
0x57: {  	_ =	shalt  }
0x58: {  	_ =	shalt  }
0x59: {  	_ =	shalt  }
0x5a: {  	_ =	shalt  }
0x5b: {  	_ =	shalt  }
0x5c: {  	_ =	shalt  }
0x5d: {  	_ =	shalt  }
0x5e: {  	_ =	shalt  }
0x5f: {  	_ =	shalt  }
0x60: {  	_ =	shalt  }
0x61: {  	_ =	shalt  }
0x62: {  	_ =	shalt  }
0x63: {  	_ =	shalt  }
0x64: {  	_ =	shalt  }
0x65: {  	_ =	shalt  }
0x66: {  	_ =	shalt  }
0x67: {  	_ =	shalt  }
0x68: {  	_ =	shalt  }
0x69: {  	_ =	shalt  }
0x6a: {  	_ =	shalt  }
0x6b: {  	_ =	shalt  }
0x6c: {  	_ =	shalt  }
0x6d: {  	_ =	shalt  }
0x6e: {  	_ =	shalt  }
0x6f: {  	_ =	shalt  }
0x70: {  	_ =	shalt  }
0x71: {  	_ =	shalt  }
0x72: {  	_ =	shalt  }
0x73: {  	_ =	shalt  }
0x74: {  	_ =	shalt  }
0x75: {  	_ =	shalt  }
0x76: {  	_ =	shalt  }
0x77: {  	_ =	shalt  }
0x78: {  	_ =	shalt  }
0x79: {  	_ =	shalt  }
0x7a: {  	_ =	shalt  }
0x7b: {  	_ =	shalt  }
0x7c: {  	_ =	shalt  }
0x7d: {  	_ =	shalt  }
0x7e: {  	_ =	shalt  }
0x7f: {  	_ =	shalt  }
0x80: {  	_ =	shalt  }
0x81: {  	_ =	shalt  }
0x82: {  	_ =	shalt  }
0x83: {  	_ =	shalt  }
0x84: {  	_ =	shalt  }
0x85: {  	_ =	shalt  }
0x86: {  	_ =	shalt  }
0x87: {  	_ =	shalt  }
.Lfunc_end0:
.L_simem_size_0:
called_computation_lowered:
.L_overlay_start_0:
0x88: {  	s0 =	sld [smem:$0x3FD9]  }
0x89: {  	s1 =	sld [smem:$0x3FFE];
	_ =	sdelay $0x3  }
0x8a: {  	s0 =	sadd.s32 s1, s0  }
0x8b: {  	[smem:$0x3FC3] =	sst s0  }
0x8c: {  	_ = 	snop  }
0x8d: {  	s0 =	sld [smem:$0x3FC9]  }
0x8e: {  	s14 =	sld [smem:$0x3FC8]  }
0x8f: {  	s2 =	sld [smem:$0x3FD0]  }
0x90: {  	s3 =	sld [smem:$0x3FC7]  }
0x91: {  	s4 =	sld [smem:$0x3FC6]  }
0x92: {  	s6 =	simm.s32 $0xA;
	s7 =	simm.s32 $0x10;
	s5 =	sld [smem:$0x3FC5]  }
0x93: {  	[smem:s7], [sflag:s6] =	dma.local [hbm:s2], $0x1  }
0x94: {  	_ =	swait.eq [sflag:s6], $0x1  }
0x95: {  	s15 =	sld [smem:$0x10];
	[sflag:s6] =	ssyncset.done $0x0  }
0x96: {  	s16 =	sld [smem:$0x11];
	[sflag:s6] =	ssyncadd.s32 $0xFFFFFFFF  }
0x97: {  	s17 =	sld [smem:$0x12];
	(tm) =	ssettm $0x1  }
0x98: {  	s8 =	sld [smem:$0x3FFB];
	_ =	sdelay $0x3  }
0x99: {  	_ =	strace s8  }
0x9a: {  	s8 =	sld [smem:$0x3FFC];
	_ =	sdelay $0x3  }
0x9b: {  	_ =	strace s8  }
0x9c: {  	s8 =	sld [smem:$0x3FFD];
	_ =	sdelay $0x3  }
0x9d: {  	_ =	strace s8  }
0x9e: {  	_ =	strace $0x8FFFFFFF  }
0x9f: {  	s18 =	sld [smem:$0x3FDB];
	_ =	sdelay $0x1  }
0xa0: {  	s9 =	simm.s32 $_scs_section_size  }
0xa1: {  	s10 =	simm.s32 $_size__tile_overlayer_lowered;
	s11 =	simm.s32 $_tile_overlayer_lowered  }
0xa2: {  	s21 =	simm.s32 $0x1BFF;
	s20 =	sshll.u32 s11, $0x1;
	s8 =	sadd.s32 s9, s18  }
0xa3: {  	s12 =	simm.s32 $0x0;
	s19 =	sshll.u32 s10, $0x1;
	s10 =	sadd.s32 s20, s8  }
0xa4: {  	[timem:s12], [sflag:s21] =	dma.local [hbm:s10], s19  }
0xa5: {  	_ =	swait.ge [sflag:s21], s19  }
0xa6: {  	s9 =	ssub.s32 $0x0, s19;
	[sflag:s21] =	ssyncset.done $0x0  }
0xa7: {  	[sflag:s21] =	ssyncadd.s32 s9;
	_ =	sdelay $0x1  }
0xa8: {  	s22 =	simm.s32 $0x1B8B  }
0xa9: {  	_ =	swait.ge [sflag:s22], $0x1  }
0xaa: {  	[sflag:s22] =	ssyncset.done $0x0  }
0xab: {  	s23 =	simm.s32 $0x1B8E;
	[sflag:s22] =	ssyncadd.s32 $0xFFFFFFFF  }
0xac: {  	s24 =	simm.s32 $execute0_lowered;
	[smem:$0x3FD2] =	sst s23  }
0xad: {  	s9 =	sshll.u32 s24, $0x1;
	_ =	strace $0x80000046;
	[dreg:$0x1] =	wrdreg $0xFFFFFFFF  }
0xae: {  	s25 =	simm.s32 $_size_execute0_lowered;
	s8 =	sadd.s32 s8, s9;
	[dreg:$0x0] =	wrdreg $0x0  }
0xaf: {  	s9 =	sshll.u32 s25, $0x1;
	[dreg:$0x2] =	wrdreg s8  }
0xb0: {  	[dreg:$0x3] =	wrdreg s9  }
0xb1: {  	[dreg:$0x4] =	wrdreg $0xC0  }
0xb2: {  	_ =	task [dreg:s12], $0x5FFFF  }
0xb3: {  	[dreg:$0x1] =	wrdreg $0xFFFFFFFF  }
0xb4: {  	[dreg:$0x0] =	wrdreg $0x60  }
0xb5: {  	[dreg:$0x2] =	wrdreg s0  }
0xb6: {  	[dreg:$0x3] =	wrdreg s14  }
0xb7: {  	[dreg:$0x4] =	wrdreg s3  }
0xb8: {  	[dreg:$0x5] =	wrdreg s4  }
0xb9: {  	[dreg:$0x6] =	wrdreg s5  }
0xba: {  	[dreg:$0x7] =	wrdreg s15  }
0xbb: {  	[dreg:$0x8] =	wrdreg s16  }
0xbc: {  	[dreg:$0x9] =	wrdreg s17  }
0xbd: {  	[dreg:$0xa] =	wrdreg $0x9  }
0xbe: {  	_ =	task.clear_ibuf [dreg:s12], $0xBFFFF;
	_ =	strace $0x90000046  }
0xbf: {  	s26 =	simm.s32 $0x9;
	_ =	strace $0x80000048  }
0xc0: {  	_ =	swait.ge [sflag:s26], $0x1  }
0xc1: {  	[sflag:s26] =	ssyncadd.s32 $0xFFFFFFFF  }
0xc2: {  	_ =	strace $0x90000048  }
0xc3: {  	_ =	sfence  }
0xc4: {  	s28 =	sld [smem:$0x0];
	_ =	sdelay $0x1  }
0xc5: {  	s29 =	srdreg.scid  }
0xc6: {  	s30 =	sshll.u32 s29, $0xD;
	s31 =	sshrl.u32 s29, $0x2  }
0xc7: {  	s1 =	sand.u32 $0x1, s29;
	s2 =	sand.u32 $0x4000, s30;
	s0 =	sadd.s32 s31, s28  }
0xc8: {  	s1 =	sor.u32 s2, s1;
	s0 =	sshll.u32 s0, $0x11  }
0xc9: {  	s0 =	sor.u32 s0, s1  }
0xca: {  	s0 =	sadd.s32 $0x8F2B, s0  }
0xcb: {  	[sflag:s0] =	ssyncadd.remote.s32 $0x1  }
0xcc: {  	_ =	sfence.sel $0xFFFF  }
0xcd: {  	[dreg:$0x0] =	wrdreg $0xFFFFFFFF;
	(pc) =	sbr.abs _section_cstart, $3  }
0xce: {  	[dreg:$0x1] =	wrdreg $0xFFFFFFFF  }
0xcf: {  	_ =	task.clear_ibuf [dreg:s12], $0x2FFFF;
	_ =	strace $0x9FFFFFFF  }
0xd0: {  	(tm) =	ssettm $0x7FFFFFFF  }
0xd1: {  	_ =	shalt  }
tec
execute0_lowered:
.L_overlay_start_1:
0x0: {  	(tag) =	ssettag $0x1  }
0x1: {  	s6 =	rddreg [dreg:$0x0]  }
0x2: {  	s7 =	rddreg [dreg:$0x1]  }
0x3: {  	s8 =	rddreg [dreg:$0x2]  }
0x4: {  	s9 =	rddreg [dreg:$0x3]  }
0x5: {  	s10 =	rddreg [dreg:$0x4]  }
0x6: {  	s4 =	rddreg [dreg:$0x5]  }
0x7: {  	s5 =	rddreg [dreg:$0x6]  }
0x8: {  	s2 =	rddreg [dreg:$0x7]  }
0x9: {  	s0 =	stileid.u32;
	s1 =	rddreg [dreg:$0x8]  }
0xa: {  	s12 =	simm.s32 $0x0;
	s3 =	sshll.u32 s0, $0x8;
	s11 =	sshll.u32 s0, $0x4  }
0xb: {  	s18 =	simm.s32 $0x2000;
	[smem:$0x7FF] =	sst s12;
	s3 =	sor.u32 s11, s3  }
0xc: {  	s19 =	simm.s32 $0x80;
	_ =	strace $0x80000047;
	s3 =	sand.u32 $0x870, s3  }
0xd: {  	[tilespmem:s18], [sflag:$0x1] =	stream.linear.gather [hbm4b:s10+s12], $0x80, $0x38;
	[tilespmem:$0x3880] =	vst v63  }
0xe: {  	s13 =	simm.s32 $0x400;
	s14 =	simm.s32 $0x1800;
	s7 =	sadd.s32 s7, s3  }
0xf: {  	[tilespmem:s14], [sflag:$0x2] =	stream.strided.gather [hbm4b:s7+s19], $0x800, s13, s19, $0x38;
	[tilespmem:$0x3880] =	vst v63  }
0x10: {  	s20 =	sadd.s32 s9, s3  }
0x11: {  	[tilespmem:s12], [sflag:$0x3] =	stream.strided.gather [hbm4b:s20+s19], $0x800, s13, s19, $0x38;
	[tilespmem:$0x3880] =	vst v63  }
0x12: {  	s21 =	simm.s32 $0x800;
	s6 =	sadd.s32 s6, s3  }
0x13: {  	[tilespmem:s21], [sflag:$0x3] =	stream.strided.gather [hbm4b:s6+s19], $0x800, s13, s19, $0x38;
	[tilespmem:$0x3880] =	vst v63  }
0x14: {  	s23 =	simm.s32 $0x1000;
	s24 =	simm.s32 $0x1;
	v0 =	vmov s0;
	s22 =	sadd.s32 s8, s3  }
0x15: {  	v1 =	vor.u32 $0x10, v0;
	[tilespmem:s23], [sflag:$0x4] =	stream.strided.gather [hbm4b:s22+s19], $0x800, s13, s19, $0x38;
	[tilespmem:$0x3880] =	vst v63  }
0x16: {  	v3 =	vor.u32 $0x20, v0;
	_ =	swait.ge [sflag:s24], $0x80  }
0x17: {  	[sflag:s24] =	ssyncset.done $0x0  }
0x18: {  	[sflag:s24] =	ssyncadd.s32 $0xFFFFFF80  }
0x19: {  	v0 =	vld.idx.msk [tilespmem:v0+s18+$0x0], $0xffff  }
0x1a: {  	s25 =	simm.s32 $0x2;
	v2 =	vld.idx.msk [tilespmem:v1+s18+$0x0], $0xffff  }
0x1b: {  	v1 =	vld.idx.msk [tilespmem:v3+s18+$0x0], $0xffff;
	_ =	swait.ge [sflag:s25], $0x800  }
0x1c: {  	[sflag:s25] =	ssyncset.done $0x0  }
0x1d: {  	s26 =	simm.s32 $0x1820;
	[sflag:s25] =	ssyncadd.s32 $0xFFFFF800  }
0x1e: {  	v4 =	vld [tilespmem:s26+$0x10]  }
0x1f: {  	v5 =	vld [tilespmem:s26+$0x0]  }
0x20: {  	s28 =	simm.s32 $0x30;
	v3 =	vlaneseq.u32;
	v6 =	vld [tilespmem:s26+$0xFFFFFFF0]  }
0x21: {  	s29 =	simm.s32 $0x20;
	v8 =	vor.u32 s28, v3;
	v7 =	vld [tilespmem:s26+$0xFFFFFFE0]  }
0x22: {  	s30 =	simm.s32 $0x10;
	v9 =	vor.u32 s29, v3;
	vm0 =	vlt.s32 v8, v2  }
0x23: {  	s31 =	simm.s32 $0x0;
	s7 =	simm.s32 $0x1860;
	s6 =	simm.s32 $0x28A0;
	v8 =	vor.u32 s30, v3;
	vm1 =	vlt.s32 v9, v2;
	v62 =	vnsel vm0, $0x0, v4  }
0x24: {  	v10 =	vor.u32 s31, v3;
	vm14 =	vlt.s32 v8, v2;
	v4 =	vld [tilespmem:s7+$0x10];
	v8 =	vnsel vm1, $0x0, v5;
	[tilespmem:s6+$0x10] =	vst v62  }
0x25: {  	vm15 =	vlt.s32 v10, v2;
	v5 =	vld [tilespmem:s7+$0x0];
	v63 =	vnsel vm14, $0x0, v6;
	[tilespmem:s6+$0x0] =	vst v8  }
0x26: {  	s9 =	simm.s32 $0x4;
	s8 =	simm.s32 $0x70;
	v6 =	vld [tilespmem:s7+$0xFFFFFFF0];
	v7 =	vnsel vm15, $0x0, v7;
	[tilespmem:s6+$0xFFFFFFF0] =	vst v63  }
.LBB2_1:
0x27: {  	s9 =	sadd.s32 $0x4, s9  }
0x28: {  	v8 =	vld [tilespmem:s7+$0xFFFFFFE0];
	s10 =	sadd.s32 $0xFFFFFFF0, s8;
	v9 =	vor.u32 s8, v3;
	[tilespmem:s6+$0xFFFFFFE0] =	vst v7;
	s6 =	sadd.s32 $0x40, s6;
	p0 =	slt.u32 s9, $0x7C  }
.Ltmp0:
0x29: {  	s11 =	sadd.s32 $0xFFFFFFE0, s8;
	v7 =	vor.u32 s10, v3;
	vm0 =	vlt.s32 v9, v2;
	(pc) =	sbr.rel @p0 .LBB2_1-.Ltmp0, $4  }
0x2a: {  	s7 =	sadd.s32 $0x40, s7;
	s10 =	sadd.s32 $0xFFFFFFD0, s8;
	v9 =	vor.u32 s11, v3;
	vm1 =	vlt.s32 v7, v2;
	v7 =	vnsel vm0, $0x0, v4  }
0x2b: {  	v10 =	vor.u32 s10, v3;
	vm0 =	vlt.s32 v9, v2;
	v4 =	vld [tilespmem:s7+$0x10];
	v9 =	vnsel vm1, $0x0, v5;
	[tilespmem:s6+$0x10] =	vst v7  }
0x2c: {  	vm1 =	vlt.s32 v10, v2;
	v5 =	vld [tilespmem:s7+$0x0];
	v10 =	vnsel vm0, $0x0, v6;
	[tilespmem:s6+$0x0] =	vst v9  }
0x2d: {  	s8 =	sadd.s32 $0x40, s8;
	v6 =	vld [tilespmem:s7+$0xFFFFFFF0];
	v7 =	vnsel vm1, $0x0, v8;
	[tilespmem:s6+$0xFFFFFFF0] =	vst v10  }
0x2e: {  	v8 =	vld [tilespmem:s7+$0xFFFFFFE0];
	s17 =	sadd.s32 $0xFFFFFFF0, s8;
	v9 =	vor.u32 s8, v3  }
0x2f: {  	s9 =	sadd.s32 $0xFFFFFFE0, s8;
	v10 =	vor.u32 s17, v3;
	vm0 =	vlt.s32 v9, v2  }
0x30: {  	[tilespmem:s6+$0xFFFFFFE0] =	vst v7;
	s18 =	sadd.s32 $0x40, s6;
	s19 =	sadd.s32 $0xFFFFFFD0, s8;
	v7 =	vor.u32 s9, v3;
	vm1 =	vlt.s32 v10, v2;
	v4 =	vnsel vm0, $0x0, v4  }
0x31: {  	v3 =	vor.u32 s19, v3;
	vm14 =	vlt.s32 v7, v2;
	v5 =	vnsel vm1, $0x0, v5;
	[tilespmem:s18+$0x10] =	vst v4  }
0x32: {  	vm15 =	vlt.s32 v3, v2;
	v2 =	vnsel vm14, $0x0, v6;
	[tilespmem:s18+$0x0] =	vst v5  }
0x33: {  	s5 =	sadd.s32 s5, s3;
	s20 =	simm.s32 $0x80;
	v3 =	vnsel vm15, $0x0, v8;
	[tilespmem:s18+$0xFFFFFFF0] =	vst v2  }
0x34: {  	s21 =	simm.s32 $0x400;
	s22 =	simm.s32 $0x2880;
	s23 =	simm.s32 $0x3;
	[tilespmem:s18+$0xFFFFFFE0] =	vst v3  }
0x35: {  	v2 =	vlaneseq.u32;
	[hbm4b:s5+s20] =	stream.strided.scatter [tilespmem:s22], [sflag:$0x5], $0x800, s21, s20, $0x38;
	[tilespmem:$0x3880] =	vst v63  }
0x36: {  	s24 =	simm.s32 $0x30;
	v2 =	vadd.s32 v2, v0;
	_ =	swait.ge [sflag:s23], $0x800  }
0x37: {  	v3 =	vadd.s32 s24, v2;
	[sflag:s23] =	ssyncset.done $0x0  }
0x38: {  	s25 =	simm.s32 $0x20;
	[sflag:s23] =	ssyncadd.s32 $0xFFFFF800  }
0x39: {  	s26 =	simm.s32 $0x10;
	v4 =	vadd.s32 s25, v2;
	_ =	swait.ge [sflag:s23], $0x800  }
0x3a: {  	s28 =	simm.s32 $0x0;
	v5 =	vadd.s32 s26, v2;
	[sflag:s23] =	ssyncset.done $0x0  }
0x3b: {  	s29 =	simm.s32 $0x70;
	s5 =	simm.s32 $0x0;
	v7 =	vadd.s32 s28, v2;
	[sflag:s23] =	ssyncadd.s32 $0xFFFFF800  }
0x3c: {  	v11 =	vadd.s32 s29, v2;
	v10 =	vld.idx.msk [tilespmem:v3+s5+$0x0], $0xffff  }
0x3d: {  	s10 =	simm.s32 $0x60  }
0x3e: {  	s31 =	simm.s32 $0x50;
	v9 =	vadd.s32 s10, v2;
	v4 =	vld.idx.msk [tilespmem:v4+s5+$0x0], $0xffff  }
0x3f: {  	s30 =	simm.s32 $0x40;
	v8 =	vadd.s32 s31, v2;
	v3 =	vld.idx.msk [tilespmem:v5+s5+$0x0], $0xffff  }
0x40: {  	s6 =	simm.s32 $0x20A0;
	v6 =	vadd.s32 s30, v2;
	v5 =	vld.idx.msk [tilespmem:v7+s5+$0x0], $0xffff  }
0x41: {  	s8 =	simm.s32 $0xB0;
	s7 =	simm.s32 $0x20E0;
	s9 =	simm.s32 $0x8;
	v7 =	vld.idx.msk [tilespmem:v11+s5+$0x0], $0xffff;
	[tilespmem:s6+$0x10] =	vst v10  }
.LBB2_3:
0x42: {  	s10 =	sadd.s32 $0xFFFFFFD0, s8;
	s9 =	sadd.s32 $0x4, s9  }
0x43: {  	s11 =	sadd.s32 $0xFFFFFFE0, s8;
	s12 =	sadd.s32 $0xFFFFFFF0, s8;
	v10 =	vadd.s32 s8, v2;
	[tilespmem:s6+$0x0] =	vst v4;
	v4 =	vld.idx.msk [tilespmem:v9+s5+$0x0], $0xffff;
	p0 =	slt.u32 s9, $0x7C  }
.Ltmp1:
0x44: {  	v12 =	vmovc v3;
	v11 =	vadd.s32 s10, v2;
	v9 =	vadd.s32 s12, v2;
	v3 =	vld.idx.msk [tilespmem:v8+s5+$0x0], $0xffff;
	v8 =	vadd.s32 s11, v2;
	(pc) =	sbr.rel @p0 .LBB2_3-.Ltmp1, $3  }
0x45: {  	[tilespmem:s6+$0xFFFFFFE0] =	vst v5;
	v5 =	vld.idx.msk [tilespmem:v6+s5+$0x0], $0xffff;
	v6 =	vmov v11  }
0x46: {  	[tilespmem:s6+$0xFFFFFFF0] =	vst v12;
	s6 =	smov.u32 s7;
	_ =	sdelay $0x1  }
0x47: {  	s8 =	sadd.s32 $0x40, s8;
	s7 =	sadd.s32 $0x40, s7;
	[tilespmem:s6+$0x10] =	vst v7;
	v7 =	vld.idx.msk [tilespmem:v10+s5+$0x0], $0xffff  }
0x48: {  	_ = 	snop  }
0x49: {  	v10 =	vadd.s32 s8, v2  }
0x4a: {  	s9 =	sadd.s32 $0xFFFFFFF0, s8  }
0x4b: {  	s10 =	sadd.s32 $0xFFFFFFD0, s8;
	v11 =	vadd.s32 s9, v2  }
0x4c: {  	s15 =	sadd.s32 $0xFFFFFFE0, s8;
	v9 =	vld.idx.msk [tilespmem:v9+s5+$0x0], $0xffff;
	v12 =	vadd.s32 s10, v2  }
0x4d: {  	[tilespmem:s6+$0x0] =	vst v4;
	v4 =	vld.idx.msk [tilespmem:v6+s5+$0x0], $0xffff;
	v2 =	vadd.s32 s15, v2  }
0x4e: {  	[tilespmem:s6+$0xFFFFFFF0] =	vst v3;
	v3 =	vld.idx.msk [tilespmem:v10+s5+$0x0], $0xffff  }
0x4f: {  	v6 =	vld.idx.msk [tilespmem:v8+s5+$0x0], $0xffff;
	[tilespmem:s6+$0xFFFFFFE0] =	vst v5  }
0x50: {  	[tilespmem:s7+$0x10] =	vst v7;
	v5 =	vld.idx.msk [tilespmem:v11+s5+$0x0], $0xffff  }
0x51: {  	[tilespmem:s7+$0x0] =	vst v9;
	v7 =	vld.idx.msk [tilespmem:v12+s5+$0x0], $0xffff  }
0x52: {  	s16 =	sadd.s32 $0x40, s7;
	[tilespmem:s7+$0xFFFFFFE0] =	vst v4;
	v4 =	vlaneseq.u32;
	v8 =	vld.idx.msk [tilespmem:v2+s5+$0x0], $0xffff  }
0x53: {  	v2 =	vadd.s32 v4, v1;
	s5 =	simm.s32 $0x0;
	[tilespmem:s16+$0x10] =	vst v3;
	v3 =	vor.u32 $0x800, v4  }
0x54: {  	s17 =	simm.s32 $0x30;
	s18 =	simm.s32 $0x10;
	[tilespmem:s7+$0xFFFFFFF0] =	vst v6;
	v0 =	vadd.s32 v0, v2;
	v4 =	vadd.s32 s5, v2;
	v1 =	vadd.s32 v3, v1  }
0x55: {  	s19 =	simm.s32 $0x20;
	[tilespmem:s16+$0x0] =	vst v5;
	v3 =	vadd.s32 s17, v2;
	v5 =	vadd.s32 s18, v2;
	vm9 =	vlt.s32 v4, $0x800  }
0x56: {  	s4 =	sadd.s32 s4, s3;
	s20 =	simm.s32 $0x80;
	[tilespmem:s16+$0xFFFFFFE0] =	vst v7;
	vm0 =	vlt.s32 v3, $0x800;
	v3 =	vadd.s32 s19, v2;
	v6 =	vsel vm9, v0, v1  }
0x57: {  	s21 =	simm.s32 $0x400;
	s11 =	simm.s32 $0x2080;
	s22 =	simm.s32 $0x4;
	[tilespmem:s16+$0xFFFFFFF0] =	vst v8;
	vm1 =	vlt.s32 v5, $0x800;
	v5 =	vsel vm0, v0, v1;
	v6 =	vadd.s32 s5, v6  }
0x58: {  	[hbm4b:s4+s20] =	stream.strided.scatter [tilespmem:s11], [sflag:$0x5], $0x800, s21, s20, $0x38;
	vm8 =	vlt.s32 v3, $0x800;
	v3 =	vsel vm1, v0, v1;
	v5 =	vadd.s32 s17, v5;
	[tilespmem:$0x3880] =	vst v63  }
0x59: {  	_ =	swait.ge [sflag:s22], $0x800;
	v4 =	vsel vm8, v0, v1;
	v3 =	vadd.s32 s18, v3  }
0x5a: {  	s23 =	simm.s32 $0x70;
	s25 =	simm.s32 $0x50;
	[sflag:s22] =	ssyncset.done $0x0;
	v4 =	vadd.s32 s19, v4  }
0x5b: {  	s24 =	simm.s32 $0x40;
	v9 =	vadd.s32 s25, v2;
	v7 =	vadd.s32 s23, v2;
	[sflag:s22] =	ssyncadd.s32 $0xFFFFF800  }
0x5c: {  	s26 =	simm.s32 $0x60;
	vm11 =	vlt.s32 v9, $0x800;
	v8 =	vadd.s32 s24, v2;
	vm10 =	vlt.s32 v7, $0x800;
	v6 =	vld.idx.msk [tilespmem:v6+s5+$0x0], $0xffff  }
0x5d: {  	v7 =	vadd.s32 s26, v2;
	vm13 =	vlt.s32 v8, $0x800;
	v9 =	vsel vm10, v0, v1;
	v5 =	vld.idx.msk [tilespmem:v5+s5+$0x0], $0xffff  }
0x5e: {  	vm12 =	vlt.s32 v7, $0x800;
	v9 =	vadd.s32 s23, v9;
	v7 =	vld.idx.msk [tilespmem:v3+s5+$0x0], $0xffff;
	v3 =	vsel vm11, v0, v1  }
0x5f: {  	s28 =	simm.s32 $0x80;
	v8 =	vsel vm12, v0, v1;
	v10 =	vld.idx.msk [tilespmem:v4+s5+$0x0], $0xffff;
	v4 =	vadd.s32 s25, v3;
	v3 =	vsel vm13, v0, v1  }
0x60: {  	s29 =	simm.s32 $0xB0;
	v8 =	vadd.s32 s26, v8;
	v11 =	vadd.s32 s24, v3;
	v3 =	vadd.s32 s28, v2  }
0x61: {  	s30 =	simm.s32 $0x90;
	s4 =	simm.s32 $0x30A0;
	vm14 =	vlt.s32 v3, $0x800;
	v3 =	vadd.s32 s29, v2  }
0x62: {  	s31 =	simm.s32 $0xA0;
	vm15 =	vlt.s32 v3, $0x800;
	[tilespmem:s4+$0x10] =	vst v5;
	v5 =	vadd.s32 s30, v2  }
0x63: {  	v63 =	vadd.s32 s31, v2;
	v3 =	vld.idx.msk [tilespmem:v9+s5+$0x0], $0xffff;
	[tilespmem:s4+$0xFFFFFFE0] =	vst v6;
	vm2 =	vlt.s32 v5, $0x800;
	v5 =	vsel vm15, v0, v1  }
0x64: {  	vm3 =	vlt.s32 v63, $0x800;
	[tilespmem:s4+$0xFFFFFFF0] =	vst v7;
	v4 =	vld.idx.msk [tilespmem:v4+s5+$0x0], $0xffff;
	v7 =	vsel vm2, v0, v1;
	v9 =	vadd.s32 s29, v5  }
0x65: {  	v12 =	vsel vm3, v0, v1;
	v6 =	vsel vm14, v0, v1;
	[tilespmem:s4+$0x0] =	vst v10;
	v5 =	vld.idx.msk [tilespmem:v8+s5+$0x0], $0xffff;
	v10 =	vadd.s32 s30, v7  }
0x66: {  	s6 =	simm.s32 $0x8;
	s7 =	simm.s32 $0xC0;
	v6 =	vadd.s32 s28, v6;
	v8 =	vadd.s32 s31, v12;
	v7 =	vld.idx.msk [tilespmem:v11+s5+$0x0], $0xffff  }
.LBB2_5:
0x67: {  	v11 =	vadd.s32 s7, v2;
	s8 =	sadd.s32 $0x30, s7;
	s6 =	sadd.s32 $0x4, s6;
	s4 =	sadd.s32 $0x40, s4  }
0x68: {  	s9 =	sadd.s32 $0x10, s7;
	s10 =	sadd.s32 $0x20, s7;
	vm0 =	vlt.s32 v11, $0x800;
	v11 =	vadd.s32 s8, v2;
	p0 =	slt.u32 s6, $0x7C;
	[tilespmem:s4+$0x10] =	vst v3  }
.Ltmp2:
0x69: {  	v12 =	vadd.s32 s9, v2;
	v13 =	vadd.s32 s10, v2;
	vm1 =	vlt.s32 v11, $0x800;
	v3 =	vld.idx.msk [tilespmem:v9+s5+$0x0], $0xffff;
	[tilespmem:s4+$0xFFFFFFF0] =	vst v4;
	(pc) =	sbr.rel @p0 .LBB2_5-.Ltmp2, $4  }
0x6a: {  	vm2 =	vlt.s32 v12, $0x800;
	vm3 =	vlt.s32 v13, $0x800;
	v9 =	vsel vm1, v0, v1;
	v4 =	vld.idx.msk [tilespmem:v10+s5+$0x0], $0xffff;
	[tilespmem:s4+$0x0] =	vst v5  }
0x6b: {  	v10 =	vsel vm2, v0, v1;
	v11 =	vsel vm3, v0, v1;
	v9 =	vadd.s32 s8, v9;
	v5 =	vld.idx.msk [tilespmem:v8+s5+$0x0], $0xffff;
	[tilespmem:s4+$0xFFFFFFE0] =	vst v7  }
0x6c: {  	v12 =	vsel vm0, v0, v1;
	v10 =	vadd.s32 s9, v10;
	v8 =	vadd.s32 s10, v11;
	v7 =	vld.idx.msk [tilespmem:v6+s5+$0x0], $0xffff  }
0x6d: {  	v6 =	vadd.s32 s7, v12;
	s7 =	sadd.s32 $0x40, s7  }
0x6e: {  	_ =	sdelay $0x3  }
0x6f: {  	s4 =	sadd.s32 $0x40, s4;
	v0 =	vld.idx.msk [tilespmem:v9+s5+$0x0], $0xffff  }
0x70: {  	v1 =	vld.idx.msk [tilespmem:v10+s5+$0x0], $0xffff;
	[tilespmem:s4+$0x10] =	vst v3  }
0x71: {  	v2 =	vld.idx.msk [tilespmem:v8+s5+$0x0], $0xffff;
	[tilespmem:s4+$0xFFFFFFF0] =	vst v4  }
0x72: {  	v63 =	vld.idx.msk [tilespmem:v6+s5+$0x0], $0xffff;
	[tilespmem:s4+$0x0] =	vst v5  }
0x73: {  	[tilespmem:s4+$0xFFFFFFE0] =	vst v7;
	s4 =	sadd.s32 $0x40, s4  }
0x74: {  	[tilespmem:s4+$0x10] =	vst v0  }
0x75: {  	[tilespmem:s4+$0xFFFFFFF0] =	vst v1  }
0x76: {  	s2 =	sadd.s32 s2, s3;
	s28 =	simm.s32 $0x80;
	[tilespmem:s4+$0x0] =	vst v2  }
0x77: {  	s29 =	simm.s32 $0x400;
	s30 =	simm.s32 $0x3080;
	s31 =	simm.s32 $0x5;
	[tilespmem:s4+$0xFFFFFFE0] =	vst v63  }
0x78: {  	[hbm4b:s2+s28] =	stream.strided.scatter [tilespmem:s30], [sflag:$0x5], $0x800, s29, s28, $0x38;
	[tilespmem:$0x3880] =	vst v63  }
0x79: {  	_ =	swait.ge [sflag:s31], $0x800  }
0x7a: {  	[sflag:s31] =	ssyncset.done $0x0  }
0x7b: {  	[sflag:s31] =	ssyncadd.s32 $0xFFFFF800  }
0x7c: {  	_ =	swait.ge [sflag:s31], $0x800  }
0x7d: {  	[sflag:s31] =	ssyncset.done $0x0  }
0x7e: {  	[sflag:s31] =	ssyncadd.s32 $0xFFFFF800  }
0x7f: {  	_ =	swait.ge [sflag:s31], $0x800  }
0x80: {  	[sflag:s31] =	ssyncset.done $0x0  }
0x81: {  	[sflag:s31] =	ssyncadd.s32 $0xFFFFF800  }
0x82: {  	_ =	sfence.sel $0x180000  }
0x83: {  	[bflag:$0x0] =	sbarrier.arrive $0xFFFF  }
0x84: {  	p0 =	sne.s32 s0, $0x0;
	_ =	strace $0x90000047  }
0x85: {  	s0 =	sadd.s32 @!p0 $0x100000, s1;
	[bflag:$0x2] =	sbarrier.arrive $0xFFFF  }
0x86: {  	[sflag:s0] =	ssyncadd.tile.s32 @!p0 $0x1;
	_ =	shalt  }
.Lfunc_end2:
_tile_overlayer_lowered:
.L_overlay_start_2:
0x87: {  	(tag) =	ssettag $0x2  }
0x88: {  	s0 =	rddreg [dreg:$0x0];
	s2 =	stileid.u32  }
0x89: {  	s1 =	rddreg [dreg:$0x1];
	p0 =	sne.s32 s2, $0x0  }
0x8a: {  	s3 =	rddreg [dreg:$0x2];
	[bflag:$0x3] =	sbarrier.arrive $0xFFFF;
	s2 =	simm.s32 @!p0 $0x1C06  }
0x8b: {  	[timem:s3], [sflag:s2] =	dma.local @!p0 [hbm:s0], s1  }
0x8c: {  	s0 =	simm.s32 @!p0 $0x6  }
0x8d: {  	_ =	swait.ge @!p0 [sflag:s0], s1  }
0x8e: {  	s1 =	ssub.s32 @!p0 $0x0, s1;
	[sflag:s0] =	ssyncset.done @!p0 $0x0  }
0x8f: {  	[sflag:s0] =	ssyncadd.s32 @!p0 s1  }
0x90: {  	[bflag:$0x3] =	sbarrier.arrive $0xFFFF  }
0x91: {  	_ =	shalt  }

</sc_bundles>
